<compile_context>
chip_gen: v7x
topology: tpu7x:2x2x1
jax: 0.10.2.dev20260603
libtpu: 0.0.44.dev20260713+nightly
codegen_flags: <defaults>
</compile_context>

<pallas_src>
import jax
import jax.numpy as jnp
from jax import lax
from jax.experimental import pallas as pl
from jax.experimental.pallas import tpu as pltpu
from jax.experimental.pallas import tpu_sc as plsc

M = 262144
D = 128
B = 65536

NC = 2
NS = 16
NW = NC * NS
ROWS_PER_CHUNK = 128
B_PER_W = B // NW
CHUNKS_PER_W = B_PER_W // ROWS_PER_CHUNK


def _copy_body(h_hbm, c_hbm, ho_hbm, co_hbm, sem_h, sem_c):
    ch = pltpu.make_async_copy(h_hbm, ho_hbm, sem_h)
    cc = pltpu.make_async_copy(c_hbm, co_hbm, sem_c)
    ch.start()
    cc.start()
    ch.wait()
    cc.wait()


_tc_copy = pl.pallas_call(
    _copy_body,
    in_specs=[pl.BlockSpec(memory_space=pl.ANY)] * 2,
    out_specs=[pl.BlockSpec(memory_space=pl.ANY)] * 2,
    out_shape=(
        jax.ShapeDtypeStruct((M, D), jnp.float32),
        jax.ShapeDtypeStruct((M, D), jnp.float32),
    ),
    scratch_shapes=[pltpu.SemaphoreType.DMA] * 2,
)


def _sc_scatter_body(idx_hbm, val_hbm, h_ref, c_ref, idx_v, val_v, sem_i, sem_h, sem_c):
    wid = lax.axis_index("s") * NC + lax.axis_index("c")
    pltpu.async_copy(idx_hbm.at[pl.ds(wid * CHUNKS_PER_W, CHUNKS_PER_W)], idx_v, sem_i).wait()

    def chunk(j, _):
        row0 = wid * B_PER_W + j * ROWS_PER_CHUNK
        pltpu.async_copy(val_hbm.at[pl.ds(row0, ROWS_PER_CHUNK)], val_v, sem_i).wait()
        idx_row = idx_v.at[j]
        cp_h = pltpu.make_async_copy(val_v, h_ref.at[idx_row], sem_h)
        cp_c = pltpu.make_async_copy(val_v, c_ref.at[idx_row], sem_c)
        cp_h.start()
        cp_c.start()
        cp_h.wait()
        cp_c.wait()
        return ()

    lax.fori_loop(0, CHUNKS_PER_W, chunk, ())


_sc_scatter = pl.kernel(
    _sc_scatter_body,
    out_type=(),
    mesh=plsc.VectorSubcoreMesh(core_axis_name="c", subcore_axis_name="s",
                                num_cores=NC, num_subcores=NS),
    scratch_types=[
        pltpu.VMEM((CHUNKS_PER_W, ROWS_PER_CHUNK), jnp.int32),
        pltpu.VMEM((ROWS_PER_CHUNK, D), jnp.float32),
        pltpu.SemaphoreType.DMA,
        pltpu.SemaphoreType.DMA,
        pltpu.SemaphoreType.DMA,
    ],
)


def kernel(h, c, idx, val):
    idx2d = idx.astype(jnp.int32).reshape(B // ROWS_PER_CHUNK, ROWS_PER_CHUNK)
    h_new, c_new = _tc_copy(h, c)
    h_ref = jax.new_ref(h_new)
    c_ref = jax.new_ref(c_new)
    _sc_scatter(idx2d, val, h_ref, c_ref)
    return (h_ref[...], c_ref[...])

# --- scband reference (transcript-rebuilt; emitter-appended) ---
"""Pipeline reference for scband-recur-tree-gen-31301721653838 (READ-ONLY COPY).

The authoritative reference and input builder live on the scoring server;
editing this copy changes nothing except your own understanding.
"""

import jax, jax.numpy as jnp
import numpy as np

M = 262144
D = 128
B = 65536


def setup_inputs(seed: int = 0) -> dict:
    key = jax.random.key(seed)
    k1, k2, k3, k4 = jax.random.split(key, 4)
    h = jax.random.normal(k1, (M, D), dtype=jnp.float32)
    c = jax.random.normal(k2, (M, D), dtype=jnp.float32)
    # nz_idx in the original is a set of unique nonzero positions of a 0/1 leaf mask;
    # use a random permutation slice to get unique in-range indices (deterministic scatter).
    idx = jax.random.permutation(k3, M)[:B]
    val = jax.random.normal(k4, (B, D), dtype=jnp.float32)
    return {"h": h, "c": c, "idx": idx, "val": val}


def reference(h, c, idx, val):
    # Faithful to selective_update_hc(h, c, zero_one, feats) with embedding=None, alt_update=False:
    #   nz_idx = nonzero(zero_one); local = scatter(feats, nz_idx, dim=0, dim_size=M)
    #   h = where(zero_one, local, h); c = where(zero_one, local, c)
    m = h.shape[0]
    local_edge_feats = jnp.zeros_like(h).at[idx].set(val)          # scatter-overwrite
    zero_one = jnp.zeros((m,), dtype=bool).at[idx].set(True)       # reconstruct 0/1 mask
    zero_one = zero_one[:, None]
    h_new = jnp.where(zero_one, local_edge_feats, h)
    c_new = jnp.where(zero_one, local_edge_feats, c)
    return (h_new, c_new)

if __name__ == "__main__":
    import jax
    _d = setup_inputs()
    print(jax.jit(kernel)(*tuple(_d.values())))

</pallas_src>

<mosaic_0001>
#map = affine_map<(d0, d1) -> (0, 0)>
module attributes {stable_mosaic.version = 14 : i64} {
  func.func @new_body(%arg0: i32, %arg1: i32, %arg2: memref<512x128xi32, #tpu.memory_space<hbm>>, %arg3: memref<65536x128xf32, #tpu.memory_space<hbm>>, %arg4: memref<262144x128xf32, #tpu.memory_space<hbm>>, %arg5: memref<262144x128xf32, #tpu.memory_space<hbm>>, %arg6: memref<262144x128xf32, #tpu.memory_space<hbm>>, %arg7: memref<262144x128xf32, #tpu.memory_space<hbm>>, %arg8: memref<16x128xi32, #tpu.memory_space<vmem>>, %arg9: memref<128x128xf32, #tpu.memory_space<vmem>>, %arg10: memref<!tpu.dma_semaphore, #tpu.memory_space<semaphore_mem>>, %arg11: memref<!tpu.dma_semaphore, #tpu.memory_space<semaphore_mem>>, %arg12: memref<!tpu.dma_semaphore, #tpu.memory_space<semaphore_mem>>) attributes {dimension_semantics = [#tpu.dimension_semantics<core_parallel>, #tpu.dimension_semantics<subcore_parallel>], iteration_bounds = array<i64: 2, 16>, scalar_prefetch = 0 : i64, scratch_operands = 5 : i64, tpu.core_type = #tpu.core_type<sc_vector_subcore>, window_params = [{transform_indices = #map}, {transform_indices = #map}, {transform_indices = #map}, {transform_indices = #map}, {transform_indices = #map}, {transform_indices = #map}]} {
    %mul3A = arith.constant 2 : i32
    %mul3A_0 = arith.muli %arg1, %mul3A : i32
    %add3A = arith.addi %mul3A_0, %arg0 : i32
    %mul3A_1 = arith.constant 16 : i32
    %mul3A_2 = arith.muli %add3A, %mul3A_1 : i32
    %dma_start3A = arith.constant 0 : i32
    %dma_start3A_3 = tpu.memref_slice %arg2[%mul3A_2, %dma_start3A] : memref<512x128xi32, #tpu.memory_space<hbm>> -> memref<16x128xi32, #tpu.memory_space<hbm>>
    %dma_start3A_4 = arith.constant 0 : i32
    %dma_start3A_5 = tpu.memref_slice %arg2[%mul3A_2, %dma_start3A_4] : memref<512x128xi32, #tpu.memory_space<hbm>> -> memref<16x128xi32, #tpu.memory_space<hbm>>
    tpu.enqueue_dma source(%dma_start3A_5 : memref<16x128xi32, #tpu.memory_space<hbm>>) target(%arg8 : memref<16x128xi32, #tpu.memory_space<vmem>>) target_semaphore(%arg10 : memref<!tpu.dma_semaphore, #tpu.memory_space<semaphore_mem>>)
    %dma_wait3A = arith.constant 0 : i32
    %dma_wait3A_6 = tpu.memref_slice %arg2[%mul3A_2, %dma_wait3A] : memref<512x128xi32, #tpu.memory_space<hbm>> -> memref<16x128xi32, #tpu.memory_space<hbm>>
    %dma_wait3A_7 = arith.constant 0 : i32
    %dma_wait3A_8 = tpu.memref_slice %arg2[%mul3A_2, %dma_wait3A_7] : memref<512x128xi32, #tpu.memory_space<hbm>> -> memref<16x128xi32, #tpu.memory_space<hbm>>
    tpu.wait_dma2 semaphore(%arg10 : memref<!tpu.dma_semaphore, #tpu.memory_space<semaphore_mem>>) src(%dma_wait3A_8 : memref<16x128xi32, #tpu.memory_space<hbm>>) dst(%arg8 : memref<16x128xi32, #tpu.memory_space<vmem>>)
    %scan3A = arith.constant 0 : i32
    %scan3A_9 = arith.constant 16 : i32
    %scan3A_10 = arith.addi %scan3A, %scan3A_9 : i32
    %scan3A_11 = arith.constant 1 : i32
    scf.for %scan3A_13 = %scan3A to %scan3A_10 step %scan3A_11  : i32 {
      %mul3A_14 = arith.constant 2048 : i32
      %mul3A_15 = arith.muli %add3A, %mul3A_14 : i32
      %mul3A_16 = arith.constant 128 : i32
      %mul3A_17 = arith.muli %scan3A_13, %mul3A_16 : i32
      %add3A_18 = arith.addi %mul3A_15, %mul3A_17 : i32
      %dma_start3A_19 = arith.constant 0 : i32
      %dma_start3A_20 = tpu.memref_slice %arg3[%add3A_18, %dma_start3A_19] : memref<65536x128xf32, #tpu.memory_space<hbm>> -> memref<128x128xf32, #tpu.memory_space<hbm>>
      %dma_start3A_21 = arith.constant 0 : i32
      %dma_start3A_22 = tpu.memref_slice %arg3[%add3A_18, %dma_start3A_21] : memref<65536x128xf32, #tpu.memory_space<hbm>> -> memref<128x128xf32, #tpu.memory_space<hbm>>
      tpu.enqueue_dma source(%dma_start3A_22 : memref<128x128xf32, #tpu.memory_space<hbm>>) target(%arg9 : memref<128x128xf32, #tpu.memory_space<vmem>>) target_semaphore(%arg10 : memref<!tpu.dma_semaphore, #tpu.memory_space<semaphore_mem>>)
      %dma_wait3A_23 = arith.constant 0 : i32
      %dma_wait3A_24 = tpu.memref_slice %arg3[%add3A_18, %dma_wait3A_23] : memref<65536x128xf32, #tpu.memory_space<hbm>> -> memref<128x128xf32, #tpu.memory_space<hbm>>
      %dma_wait3A_25 = arith.constant 0 : i32
      %dma_wait3A_26 = tpu.memref_slice %arg3[%add3A_18, %dma_wait3A_25] : memref<65536x128xf32, #tpu.memory_space<hbm>> -> memref<128x128xf32, #tpu.memory_space<hbm>>
      tpu.wait_dma2 semaphore(%arg10 : memref<!tpu.dma_semaphore, #tpu.memory_space<semaphore_mem>>) src(%dma_wait3A_26 : memref<128x128xf32, #tpu.memory_space<hbm>>) dst(%arg9 : memref<128x128xf32, #tpu.memory_space<vmem>>)
      %dma_start3A_27 = arith.constant 0 : i32
      %dma_start3A_28 = tpu.memref_slice %arg8[%scan3A_13, %dma_start3A_27] : memref<16x128xi32, #tpu.memory_space<vmem>> -> memref<1x128xi32, #tpu.memory_space<vmem>>
      %dma_start3A_29 = tpu.memref_squeeze %dma_start3A_28 : memref<1x128xi32, #tpu.memory_space<vmem>> -> memref<128xi32, #tpu.memory_space<vmem>>
      %dma_start3A_30 = arith.constant 0 : i32
      %dma_start3A_31 = arith.constant 0 : i32
      %dma_start3A_32 = tpu.memref_slice %arg4[%dma_start3A_30, %dma_start3A_31] : memref<262144x128xf32, #tpu.memory_space<hbm>> -> memref<262144x128xf32, #tpu.memory_space<hbm>>
      tpu.enqueue_indirect_dma source(%arg9 : memref<128x128xf32, #tpu.memory_space<vmem>>) target(%dma_start3A_32 : memref<262144x128xf32, #tpu.memory_space<hbm>>) offsets(%dma_start3A_29 : memref<128xi32, #tpu.memory_space<vmem>>) semaphore(%arg11 : memref<!tpu.dma_semaphore, #tpu.memory_space<semaphore_mem>>)
      %dma_start3A_33 = arith.constant 0 : i32
      %dma_start3A_34 = tpu.memref_slice %arg8[%scan3A_13, %dma_start3A_33] : memref<16x128xi32, #tpu.memory_space<vmem>> -> memref<1x128xi32, #tpu.memory_space<vmem>>
      %dma_start3A_35 = tpu.memref_squeeze %dma_start3A_34 : memref<1x128xi32, #tpu.memory_space<vmem>> -> memref<128xi32, #tpu.memory_space<vmem>>
      %dma_start3A_36 = arith.constant 0 : i32
      %dma_start3A_37 = arith.constant 0 : i32
      %dma_start3A_38 = tpu.memref_slice %arg5[%dma_start3A_36, %dma_start3A_37] : memref<262144x128xf32, #tpu.memory_space<hbm>> -> memref<262144x128xf32, #tpu.memory_space<hbm>>
      tpu.enqueue_indirect_dma source(%arg9 : memref<128x128xf32, #tpu.memory_space<vmem>>) target(%dma_start3A_38 : memref<262144x128xf32, #tpu.memory_space<hbm>>) offsets(%dma_start3A_35 : memref<128xi32, #tpu.memory_space<vmem>>) semaphore(%arg12 : memref<!tpu.dma_semaphore, #tpu.memory_space<semaphore_mem>>)
      %dma_wait3A_39 = arith.constant 0 : i32
      %dma_wait3A_40 = tpu.memref_slice %arg8[%scan3A_13, %dma_wait3A_39] : memref<16x128xi32, #tpu.memory_space<vmem>> -> memref<1x128xi32, #tpu.memory_space<vmem>>
      %dma_wait3A_41 = tpu.memref_squeeze %dma_wait3A_40 : memref<1x128xi32, #tpu.memory_space<vmem>> -> memref<128xi32, #tpu.memory_space<vmem>>
      %dma_wait3A_42 = arith.constant 0 : i32
      %dma_wait3A_43 = arith.constant 0 : i32
      %dma_wait3A_44 = tpu.memref_slice %arg4[%dma_wait3A_42, %dma_wait3A_43] : memref<262144x128xf32, #tpu.memory_space<hbm>> -> memref<262144x128xf32, #tpu.memory_space<hbm>>
      tpu.wait_indirect_dma semaphore(%arg11 : memref<!tpu.dma_semaphore, #tpu.memory_space<semaphore_mem>>) src(%arg9 : memref<128x128xf32, #tpu.memory_space<vmem>>) dst(%dma_wait3A_44 : memref<262144x128xf32, #tpu.memory_space<hbm>>)
      %dma_wait3A_45 = arith.constant 0 : i32
      %dma_wait3A_46 = tpu.memref_slice %arg8[%scan3A_13, %dma_wait3A_45] : memref<16x128xi32, #tpu.memory_space<vmem>> -> memref<1x128xi32, #tpu.memory_space<vmem>>
      %dma_wait3A_47 = tpu.memref_squeeze %dma_wait3A_46 : memref<1x128xi32, #tpu.memory_space<vmem>> -> memref<128xi32, #tpu.memory_space<vmem>>
      %dma_wait3A_48 = arith.constant 0 : i32
      %dma_wait3A_49 = arith.constant 0 : i32
      %dma_wait3A_50 = tpu.memref_slice %arg5[%dma_wait3A_48, %dma_wait3A_49] : memref<262144x128xf32, #tpu.memory_space<hbm>> -> memref<262144x128xf32, #tpu.memory_space<hbm>>
      tpu.wait_indirect_dma semaphore(%arg12 : memref<!tpu.dma_semaphore, #tpu.memory_space<semaphore_mem>>) src(%arg9 : memref<128x128xf32, #tpu.memory_space<vmem>>) dst(%dma_wait3A_50 : memref<262144x128xf32, #tpu.memory_space<hbm>>)
    }
    %scan3A_12 = arith.constant 16 : i32
    return
  }
}

module attributes {stable_mosaic.version = 14 : i64} {
  func.func @_copy_body(%arg0: memref<262144x128xf32, #tpu.memory_space<any>>, %arg1: memref<262144x128xf32, #tpu.memory_space<any>>, %arg2: memref<262144x128xf32, #tpu.memory_space<any>>, %arg3: memref<262144x128xf32, #tpu.memory_space<any>>, %arg4: memref<!tpu.dma_semaphore, #tpu.memory_space<semaphore_mem>>, %arg5: memref<!tpu.dma_semaphore, #tpu.memory_space<semaphore_mem>>) attributes {dimension_semantics = [], scalar_prefetch = 0 : i64, scratch_operands = 2 : i64, tpu.core_type = #tpu.core_type<tc>} {
    tpu.enqueue_dma source(%arg0 : memref<262144x128xf32, #tpu.memory_space<any>>) target(%arg2 : memref<262144x128xf32, #tpu.memory_space<any>>) target_semaphore(%arg4 : memref<!tpu.dma_semaphore, #tpu.memory_space<semaphore_mem>>)
    tpu.enqueue_dma source(%arg1 : memref<262144x128xf32, #tpu.memory_space<any>>) target(%arg3 : memref<262144x128xf32, #tpu.memory_space<any>>) target_semaphore(%arg5 : memref<!tpu.dma_semaphore, #tpu.memory_space<semaphore_mem>>)
    tpu.wait_dma2 semaphore(%arg4 : memref<!tpu.dma_semaphore, #tpu.memory_space<semaphore_mem>>) src(%arg0 : memref<262144x128xf32, #tpu.memory_space<any>>) dst(%arg2 : memref<262144x128xf32, #tpu.memory_space<any>>)
    tpu.wait_dma2 semaphore(%arg5 : memref<!tpu.dma_semaphore, #tpu.memory_space<semaphore_mem>>) src(%arg1 : memref<262144x128xf32, #tpu.memory_space<any>>) dst(%arg3 : memref<262144x128xf32, #tpu.memory_space<any>>)
    return
  }
}

</mosaic_0001>

<sc_bundles>
// kernel: kernel.4.cloned.1.call-start
scs
__scs_entry_jumppad:
0x0: {  	(pc) =	sbr.rel $0x88, $3  }
0x1: {  	(tag) =	ssettag $0x0;
	lr =	simm.s32 $0x1  }
0x2: {  	[smem:$0x3F9D] =	sst lr;
	_ =	strace $0xD0000000  }
0x3: {  	_ = 	snop  }
0x4: {  	_ = 	snop  }
0x5: {  	_ = 	snop  }
0x6: {  	_ = 	snop  }
0x7: {  	_ = 	snop  }
__scs_overlays_trampoline_lowered:
0x8: {  	[smem:$0x3FAC] =	sst s0  }
0x9: {  	[smem:$0x3FAD] =	sst s1  }
0xa: {  	[smem:$0x3FAE] =	sst s2  }
0xb: {  	[smem:$0x3FAF] =	sst s3  }
0xc: {  	[smem:$0x3FB0] =	sst s4  }
0xd: {  	[smem:$0x3FB1] =	sst s5  }
0xe: {  	[smem:$0x3FB2] =	sst s6  }
0xf: {  	[smem:$0x3FB3] =	sst s7  }
0x10: {  	[smem:$0x3FB4] =	sst s8  }
0x11: {  	[smem:$0x3FB5] =	sst s9;
	s0 =	simm.s32 @!p0 $0x0  }
0x12: {  	s1 =	sld [smem:$0x3F9B];
	s0 =	simm.s32 @p0 $0x1  }
0x13: {  	[smem:$0x3FB6] =	sst s0;
	s0 =	simm.s32 @!p1 $0x0  }
0x14: {  	s2 =	sld [smem:$0x3F9A];
	s0 =	simm.s32 @p1 $0x1  }
0x15: {  	[smem:$0x3FB7] =	sst s0;
	s0 =	simm.s32 @!p2 $0x0  }
0x16: {  	s3 =	sld [smem:$0x3FDB];
	s0 =	simm.s32 @p2 $0x1  }
0x17: {  	s4 =	simm.s32 $0x1BF5;
	[smem:$0x3FB9] =	sst s0  }
0x18: {  	s0 =	sld [smem:$0x3F9C];
	_ =	swait.ge [sflag:s4], $0x0  }
0x19: {  	s7 =	sld [smem:$0x3F9D]  }
0x1a: {  	s8 =	sadd.s32 $0xFFFFE003, lr  }
0x1b: {  	s9 =	sadd.s32 $0xFFFFFEF7, lr;
	s5 =	simm.s32 $0xFFFFFFFF;
	p2 =	slt.u32 s8, $0xFFFFF086  }
0x1c: {  	p1 =	slt.u32 s9, $0xF7A;
	s5 =	simm.s32 @!p2 $0x0  }
0x1d: {  	s5 =	simm.s32 @p1 $0x1;
	p0 =	seq.s32 s7, s2  }
0x1e: {  	s7 =	smul.u32 @!p0 $0xF7A, s2;
	p2 =	seq.s32 @!p0 s5, $0x0  }
0x1f: {  	s9 =	smul.u32 $0xF7A, s1;
	s8 =	simm.s32 @!p0 $0x1BF5;
	p2 =	por !p2, p0  }
0x20: {  	[sflag:s8] =	ssyncset.s32 @!p0 $0xFFFFF086;
	s6 =	sadd.s32 @!p0 s3, s7;
	s7 =	simm.s32 @!p0 $0x108  }
0x21: {  	s3 =	sadd.s32 s3, s9;
	s6 =	sadd.s32 @!p0 $0x88, s6;
	s7 =	simm.s32 @p2 $0x1082  }
0x22: {  	[simem:s7], [sflag:s8] =	dma.local @!p0 [hbm:s6], $0xF7A  }
0x23: {  	s9 =	sor.u32 $0xD0000000, s2;
	s6 =	simm.s32 $0x108;
	_ =	swait.ge @!p0 [sflag:s8], $0x0  }
0x24: {  	s3 =	sadd.s32 $0x88, s3;
	s6 =	simm.s32 @!p1 $0x1082;
	[sflag:s4] =	ssyncset.s32 $0xFFFFF086  }
0x25: {  	[simem:s6], [sflag:s4] =	dma.local [hbm:s3], $0xF7A  }
0x26: {  	[smem:$0x3F9D] =	sst s1;
	(tag) =	ssettag s2;
	_ =	strace s9  }
0x27: {  	s1 =	sld [smem:$0x3FAD]  }
0x28: {  	s2 =	sld [smem:$0x3FAE]  }
0x29: {  	s4 =	sld [smem:$0x3FB0]  }
0x2a: {  	p0 =	seq.s32 s5, $0x0;
	s5 =	sld [smem:$0x3FB1]  }
0x2b: {  	s6 =	sld [smem:$0x3FB2]  }
0x2c: {  	s7 =	sld [smem:$0x3FB3]  }
0x2d: {  	s3 =	simm.s32 $0x108;
	s8 =	sld [smem:$0x3FB4]  }
0x2e: {  	s3 =	simm.s32 @!p0 $0x1082;
	s9 =	sld [smem:$0x3FB5]  }
0x2f: {  	lr =	sadd.s32 s0, s3;
	s0 =	sld [smem:$0x3FAC]  }
0x30: {  	s3 =	sld [smem:$0x3FAF]  }
0x31: {  	[smem:$0x3FB8] =	sst s10  }
0x32: {  	s10 =	sld [smem:$0x3FB6];
	_ =	sdelay $0x3  }
0x33: {  	p0 =	seq.s32 s10, $0x1;
	s10 =	sld [smem:$0x3FB8];
	_ =	sdelay $0x3  }
0x34: {  	[smem:$0x3FB8] =	sst s10  }
0x35: {  	s10 =	sld [smem:$0x3FB7];
	_ =	sdelay $0x3  }
0x36: {  	p1 =	seq.s32 s10, $0x1;
	s10 =	sld [smem:$0x3FB8];
	_ =	sdelay $0x3  }
0x37: {  	[smem:$0x3FB8] =	sst s10  }
0x38: {  	s10 =	sld [smem:$0x3FB9]  }
0x39: {  	_ = 	snop;
	(pc) =	sbr.ind lr, $3  }
0x3a: {  	_ = 	snop  }
0x3b: {  	_ = 	snop  }
0x3c: {  	p2 =	seq.s32 s10, $0x1;
	s10 =	sld [smem:$0x3FB8]  }
0x3d: {  	_ =	shalt  }
0x3e: {  	_ =	shalt  }
0x3f: {  	_ =	shalt  }
0x40: {  	_ =	shalt  }
0x41: {  	_ =	shalt  }
0x42: {  	_ =	shalt  }
0x43: {  	_ =	shalt  }
0x44: {  	_ =	shalt  }
0x45: {  	_ =	shalt  }
0x46: {  	_ =	shalt  }
0x47: {  	_ =	shalt  }
0x48: {  	_ =	shalt  }
0x49: {  	_ =	shalt  }
0x4a: {  	_ =	shalt  }
0x4b: {  	_ =	shalt  }
0x4c: {  	_ =	shalt  }
0x4d: {  	_ =	shalt  }
0x4e: {  	_ =	shalt  }
0x4f: {  	_ =	shalt  }
0x50: {  	_ =	shalt  }
0x51: {  	_ =	shalt  }
0x52: {  	_ =	shalt  }
0x53: {  	_ =	shalt  }
0x54: {  	_ =	shalt  }
0x55: {  	_ =	shalt  }
0x56: {  	_ =	shalt  }
0x57: {  	_ =	shalt  }
0x58: {  	_ =	shalt  }
0x59: {  	_ =	shalt  }
0x5a: {  	_ =	shalt  }
0x5b: {  	_ =	shalt  }
0x5c: {  	_ =	shalt  }
0x5d: {  	_ =	shalt  }
0x5e: {  	_ =	shalt  }
0x5f: {  	_ =	shalt  }
0x60: {  	_ =	shalt  }
0x61: {  	_ =	shalt  }
0x62: {  	_ =	shalt  }
0x63: {  	_ =	shalt  }
0x64: {  	_ =	shalt  }
0x65: {  	_ =	shalt  }
0x66: {  	_ =	shalt  }
0x67: {  	_ =	shalt  }
0x68: {  	_ =	shalt  }
0x69: {  	_ =	shalt  }
0x6a: {  	_ =	shalt  }
0x6b: {  	_ =	shalt  }
0x6c: {  	_ =	shalt  }
0x6d: {  	_ =	shalt  }
0x6e: {  	_ =	shalt  }
0x6f: {  	_ =	shalt  }
0x70: {  	_ =	shalt  }
0x71: {  	_ =	shalt  }
0x72: {  	_ =	shalt  }
0x73: {  	_ =	shalt  }
0x74: {  	_ =	shalt  }
0x75: {  	_ =	shalt  }
0x76: {  	_ =	shalt  }
0x77: {  	_ =	shalt  }
0x78: {  	_ =	shalt  }
0x79: {  	_ =	shalt  }
0x7a: {  	_ =	shalt  }
0x7b: {  	_ =	shalt  }
0x7c: {  	_ =	shalt  }
0x7d: {  	_ =	shalt  }
0x7e: {  	_ =	shalt  }
0x7f: {  	_ =	shalt  }
0x80: {  	_ =	shalt  }
0x81: {  	_ =	shalt  }
0x82: {  	_ =	shalt  }
0x83: {  	_ =	shalt  }
0x84: {  	_ =	shalt  }
0x85: {  	_ =	shalt  }
0x86: {  	_ =	shalt  }
0x87: {  	_ =	shalt  }
.Lfunc_end0:
.L_simem_size_0:
called_computation_lowered:
.L_overlay_start_0:
0x88: {  	s2 =	sld [smem:$0x3FD9]  }
0x89: {  	s3 =	sld [smem:$0x3FFE];
	_ =	sdelay $0x1  }
0x8a: {  	s1 =	srdreg.scid  }
0x8b: {  	s0 =	sand.u32 $0x1, s1  }
0x8c: {  	s15 =	sshll.u32 s0, $0xA;
	s2 =	sadd.s32 s3, s2  }
0x8d: {  	s2 =	sadd.s32 s2, s15  }
0x8e: {  	[smem:$0x3FC4] =	sst s2  }
0x8f: {  	_ = 	snop  }
0x90: {  	s2 =	sld [smem:$0x3FD0];
	_ =	sdelay $0x1  }
0x91: {  	s16 =	sld [smem:$0x3FC7]  }
0x92: {  	s5 =	simm.s32 $0xA;
	s6 =	simm.s32 $0x10;
	s4 =	sld [smem:$0x3FC6]  }
0x93: {  	[smem:s6], [sflag:s5] =	dma.local [hbm:s2], $0x1  }
0x94: {  	_ =	swait.eq [sflag:s5], $0x1  }
0x95: {  	[sflag:s5] =	ssyncset.done $0x0  }
0x96: {  	s17 =	sld [smem:$0x10];
	[sflag:s5] =	ssyncadd.s32 $0xFFFFFFFF  }
0x97: {  	s18 =	sld [smem:$0x11];
	(tm) =	ssettm $0x1  }
0x98: {  	s19 =	sld [smem:$0x3FFB];
	_ =	sdelay $0x3  }
0x99: {  	_ =	strace s19  }
0x9a: {  	s6 =	sld [smem:$0x3FFC];
	_ =	sdelay $0x3  }
0x9b: {  	_ =	strace s6  }
0x9c: {  	s6 =	sld [smem:$0x3FFD];
	_ =	sdelay $0x3  }
0x9d: {  	_ =	strace s6  }
0x9e: {  	_ =	strace $0x8FFFFFFF  }
0x9f: {  	s20 =	sld [smem:$0x3FDB];
	_ =	sdelay $0x1  }
0xa0: {  	s7 =	simm.s32 $_scs_section_size  }
0xa1: {  	s8 =	simm.s32 $_size__tile_overlayer_lowered;
	s9 =	simm.s32 $_tile_overlayer_lowered  }
0xa2: {  	s23 =	simm.s32 $0x1BFF;
	s22 =	sshll.u32 s9, $0x1;
	s6 =	sadd.s32 s7, s20  }
0xa3: {  	s10 =	simm.s32 $0x0;
	s21 =	sshll.u32 s8, $0x1;
	s8 =	sadd.s32 s22, s6  }
0xa4: {  	[timem:s10], [sflag:s23] =	dma.local [hbm:s8], s21  }
0xa5: {  	_ =	swait.ge [sflag:s23], s21  }
0xa6: {  	s7 =	ssub.s32 $0x0, s21;
	[sflag:s23] =	ssyncset.done $0x0  }
0xa7: {  	[sflag:s23] =	ssyncadd.s32 s7;
	_ =	sdelay $0x1  }
0xa8: {  	s24 =	simm.s32 $0x1B8B  }
0xa9: {  	_ =	swait.ge [sflag:s24], $0x1  }
0xaa: {  	[sflag:s24] =	ssyncset.done $0x0  }
0xab: {  	s25 =	simm.s32 $0x1B8E;
	[sflag:s24] =	ssyncadd.s32 $0xFFFFFFFF  }
0xac: {  	s26 =	simm.s32 $execute0_lowered;
	[smem:$0x3FD2] =	sst s25  }
0xad: {  	s7 =	sshll.u32 s26, $0x1;
	_ =	strace $0x80000046;
	[dreg:$0x1] =	wrdreg $0xFFFFFFFF  }
0xae: {  	s28 =	simm.s32 $_size_execute0_lowered;
	s6 =	sadd.s32 s6, s7;
	[dreg:$0x0] =	wrdreg $0x0  }
0xaf: {  	s7 =	sshll.u32 s28, $0x1;
	[dreg:$0x2] =	wrdreg s6  }
0xb0: {  	[dreg:$0x3] =	wrdreg s7  }
0xb1: {  	[dreg:$0x4] =	wrdreg $0xC0  }
0xb2: {  	_ =	task [dreg:s10], $0x5FFFF  }
0xb3: {  	[dreg:$0x1] =	wrdreg $0xFFFFFFFF  }
0xb4: {  	[dreg:$0x0] =	wrdreg $0x60  }
0xb5: {  	[dreg:$0x2] =	wrdreg s16  }
0xb6: {  	[dreg:$0x3] =	wrdreg s4  }
0xb7: {  	[dreg:$0x4] =	wrdreg s17  }
0xb8: {  	[dreg:$0x5] =	wrdreg s18  }
0xb9: {  	[dreg:$0x6] =	wrdreg $0x9  }
0xba: {  	_ =	task.clear_ibuf [dreg:s10], $0x7FFFF;
	_ =	strace $0x90000046  }
0xbb: {  	s29 =	simm.s32 $0x9;
	_ =	strace $0x80000048  }
0xbc: {  	_ =	swait.ge [sflag:s29], $0x1  }
0xbd: {  	[sflag:s29] =	ssyncadd.s32 $0xFFFFFFFF  }
0xbe: {  	_ =	strace $0x90000048  }
0xbf: {  	_ =	sfence  }
0xc0: {  	s30 =	sld [smem:$0x0];
	_ =	sdelay $0x2  }
0xc1: {  	s31 =	sshll.u32 s1, $0xD;
	s1 =	sshrl.u32 s1, $0x2  }
0xc2: {  	s3 =	sand.u32 $0x4000, s31;
	s1 =	sadd.s32 s1, s30  }
0xc3: {  	s0 =	sor.u32 s3, s0;
	s1 =	sshll.u32 s1, $0x11  }
0xc4: {  	s0 =	sor.u32 s1, s0  }
0xc5: {  	s0 =	sadd.s32 $0x8F2B, s0  }
0xc6: {  	[sflag:s0] =	ssyncadd.remote.s32 $0x1  }
0xc7: {  	_ =	sfence.sel $0xFFFF  }
0xc8: {  	[dreg:$0x0] =	wrdreg $0xFFFFFFFF;
	(pc) =	sbr.abs _section_cstart, $3  }
0xc9: {  	[dreg:$0x1] =	wrdreg $0xFFFFFFFF  }
0xca: {  	_ =	task.clear_ibuf [dreg:s10], $0x2FFFF;
	_ =	strace $0x9FFFFFFF  }
0xcb: {  	(tm) =	ssettm $0x7FFFFFFF  }
tec
execute0_lowered:
.L_overlay_start_1:
0x0: {  	(tag) =	ssettag $0x1  }
0x1: {  	s5 =	rddreg [dreg:$0x0]  }
0x2: {  	s6 =	rddreg [dreg:$0x1]  }
0x3: {  	s1 =	rddreg [dreg:$0x2]  }
0x4: {  	s0 =	srdreg.scid;
	s2 =	rddreg [dreg:$0x3]  }
0x5: {  	s3 =	simm.s32 $0x0;
	s4 =	stileid.u32;
	s12 =	simm.s32 $0x3  }
0x6: {  	s13 =	simm.s32 $0x0;
	s7 =	sand.u32 $0x1, s0;
	s0 =	rddreg [dreg:$0x4]  }
0x7: {  	[smem:$0x7FF] =	sst s3;
	s30 =	sshll.u32 s4, $0x9;
	s11 =	sshll.u32 s4, $0x10  }
0x8: {  	s8 =	ssub.s32 $0x2, s7;
	_ =	strace $0x80000047;
	s10 =	sshll.u32 s7, $0x8  }
0x9: {  	s31 =	sadd.s32 s11, s6;
	s7 =	sshll.u32 s7, $0xF;
	s9 =	sshrl.u32 s8, $0x1  }
0xa: {  	s11 =	simm.s32 $0x2;
	s8 =	ssub.s32 s8, s9;
	s9 =	sor.u32 s10, s30  }
0xb: {  	s7 =	sadd.s32 s7, s31;
	s10 =	simm.s32 $0x80;
	s5 =	sadd.s32 s5, s9  }
0xc: {  	s6 =	smax.u32 s8, $0x1;
	s8 =	simm.s32 $0x1;
	s9 =	simm.s32 $0x800  }
.LBB2_1:
0xd: {  	[tilespmem:s3], [sflag:$0x1] =	stream.linear.gather [hbm4b:s5+s3], $0x800, $0x38;
	[tilespmem:$0x4800] =	vst v63  }
0xe: {  	_ =	swait.ge [sflag:s8], $0x800  }
0xf: {  	[sflag:s8] =	ssyncset.done $0x0  }
0x10: {  	[sflag:s8] =	ssyncadd.s32 $0xFFFFF800  }
0x11: {  	[tilespmem:s9], [sflag:$0x1] =	stream.linear.gather [hbm4b:s7+s3], $0x4000, $0x38;
	[tilespmem:$0x4800] =	vst v63  }
0x12: {  	_ =	swait.ge [sflag:s8], $0x4000  }
0x13: {  	[sflag:s8] =	ssyncset.done $0x0  }
0x14: {  	s14 =	simm.s32 $0x0;
	[sflag:s8] =	ssyncadd.s32 $0xFFFFC000  }
0x15: {  	[hbm4b:s1+s10] =	stream.indirect.scatter [tilespmem:s9], [sflag:$0x2], $0x80, s14, s10, $0xb8;
	[tilespmem:$0x4800] =	vst v63  }
0x16: {  	_ = 	snop  }
0x17: {  	[hbm4b:s2+s10] =	stream.indirect.scatter [tilespmem:s9], [sflag:$0x3], $0x80, s14, s10, $0xb8;
	[tilespmem:$0x4800] =	vst v63  }
0x18: {  	_ =	swait.ge [sflag:s11], $0x4000  }
0x19: {  	[sflag:s11] =	ssyncset.done $0x0  }
0x1a: {  	[sflag:s11] =	ssyncadd.s32 $0xFFFFC000  }
0x1b: {  	_ =	swait.ge [sflag:s12], $0x4000  }
0x1c: {  	s15 =	smov.u32 s7;
	s14 =	simm.s32 $0x200;
	[sflag:s12] =	ssyncset.done $0x0  }
.LBB2_2:
0x1d: {  	p0 =	sne.s32 s14, $0x1E00;
	[sflag:s12] =	ssyncadd.s32 $0xFFFFC000;
	s15 =	sadd.s32 $0x800, s15  }
0x1e: {  	[tilespmem:s9], [sflag:$0x1] =	stream.linear.gather [hbm4b:s15+s3], $0x4000, $0x38;
	[tilespmem:$0x4800] =	vst v63  }
0x1f: {  	s16 =	smov.u32 s14;
	s14 =	sadd.s32 $0x200, s14;
	_ =	swait.ge [sflag:s8], $0x4000  }
0x20: {  	[sflag:s8] =	ssyncset.done $0x0  }
0x21: {  	s16 =	sshra.s32 s16, $0x2;
	[sflag:s8] =	ssyncadd.s32 $0xFFFFC000  }
0x22: {  	[hbm4b:s1+s10] =	stream.indirect.scatter [tilespmem:s9], [sflag:$0x2], $0x80, s16, s10, $0xb8;
	[tilespmem:$0x4800] =	vst v63  }
0x23: {  	_ = 	snop  }
0x24: {  	[hbm4b:s2+s10] =	stream.indirect.scatter [tilespmem:s9], [sflag:$0x3], $0x80, s16, s10, $0xb8;
	[tilespmem:$0x4800] =	vst v63  }
.Ltmp0:
0x25: {  	_ =	swait.ge [sflag:s11], $0x4000;
	(pc) =	sbr.rel @p0 .LBB2_2-.Ltmp0, $4  }
0x26: {  	[sflag:s11] =	ssyncset.done $0x0  }
0x27: {  	[sflag:s11] =	ssyncadd.s32 $0xFFFFC000  }
0x28: {  	_ =	swait.ge [sflag:s12], $0x4000  }
0x29: {  	[sflag:s12] =	ssyncset.done $0x0  }
0x2a: {  	s13 =	sadd.s32 $0x1, s13  }
0x2b: {  	p0 =	sne.s32 s13, s6  }
.Ltmp1:
0x2c: {  	_ = 	snop;
	(pc) =	sbr.rel @p0 .LBB2_1-.Ltmp1, $2  }
0x2d: {  	_ =	sdelay $0x2  }
0x2e: {  	[sflag:s12] =	ssyncadd.s32 $0xFFFFC000  }
0x2f: {  	_ =	sfence.sel $0x180000  }
0x30: {  	[bflag:$0x0] =	sbarrier.arrive $0xFFFF  }
0x31: {  	p0 =	sne.s32 s4, $0x0;
	_ =	strace $0x90000047  }
0x32: {  	s0 =	sadd.s32 @!p0 $0x100000, s0;
	[bflag:$0x2] =	sbarrier.arrive $0xFFFF  }
0x33: {  	[sflag:s0] =	ssyncadd.tile.s32 @!p0 $0x1;
	_ =	shalt  }
.Lfunc_end2:
_tile_overlayer_lowered:
.L_overlay_start_2:
0x34: {  	(tag) =	ssettag $0x2  }
0x35: {  	s0 =	rddreg [dreg:$0x0];
	s2 =	stileid.u32  }
0x36: {  	s1 =	rddreg [dreg:$0x1];
	p0 =	sne.s32 s2, $0x0  }
0x37: {  	s3 =	rddreg [dreg:$0x2];
	[bflag:$0x3] =	sbarrier.arrive $0xFFFF;
	s2 =	simm.s32 @!p0 $0x1C04  }
0x38: {  	[timem:s3], [sflag:s2] =	dma.local @!p0 [hbm:s0], s1  }
0x39: {  	s0 =	simm.s32 @!p0 $0x4  }
0x3a: {  	_ =	swait.ge @!p0 [sflag:s0], s1  }
0x3b: {  	s1 =	ssub.s32 @!p0 $0x0, s1;
	[sflag:s0] =	ssyncset.done @!p0 $0x0  }
0x3c: {  	[sflag:s0] =	ssyncadd.s32 @!p0 s1  }
0x3d: {  	[bflag:$0x3] =	sbarrier.arrive $0xFFFF  }
0x3e: {  	_ =	shalt  }

</sc_bundles>
